<compile_context>
chip_gen: v7x
topology: tpu7x:2x2x1
jax: 0.10.2.dev20260603
libtpu: 0.0.44.dev20260713+nightly
codegen_flags: <defaults>
</compile_context>

<pallas_src>
import jax
import jax.numpy as jnp
from jax import lax
from jax.experimental import pallas as pl
from jax.experimental.pallas import tpu as pltpu
from jax.experimental.pallas import tpu_sc as plsc

BUFFER_SIZE = 1000000
OBS_DIM = 32
ACT_DIM = 8
MASK_SIZE = 10
K = 4096

_INFO = plsc.get_sparse_core_info()
NC = _INFO.num_cores
NS = _INFO.num_subcores
NW = NC * NS

BC = K // NW
U = 128
FILL_COLS = BUFFER_SIZE - K
FILL_UNITS = FILL_COLS // U
UNITS_PER = FILL_UNITS // NW
REM_UNITS = FILL_UNITS % NW
CH = 2048
NFULL = (UNITS_PER * U) // CH
TAIL = UNITS_PER * U - NFULL * CH

BSZ = 65536


def _sc_f32(obs0T, act0T, obsT, actT):
    mesh = plsc.VectorSubcoreMesh(core_axis_name="c", subcore_axis_name="s")

    out_type = (
        jax.ShapeDtypeStruct((OBS_DIM, BUFFER_SIZE), jnp.float32),
        jax.ShapeDtypeStruct((ACT_DIM, BUFFER_SIZE), jnp.float32),
    )
    scratch_types = [
        pltpu.VMEM((OBS_DIM, CH), jnp.float32),
        pltpu.VMEM((ACT_DIM, CH), jnp.float32),
        pltpu.VMEM((OBS_DIM, BC), jnp.float32),
        pltpu.VMEM((ACT_DIM, BC), jnp.float32),
    ]

    @pl.kernel(mesh=mesh, out_type=out_type, scratch_types=scratch_types)
    def body(obs0_h, act0_h, obs_h, act_h, o_obs, o_act, z32, z8, bf, ba):
        w = lax.axis_index("s") * NC + lax.axis_index("c")

        pltpu.sync_copy(obs0_h.at[:, pl.ds(0, CH)], z32)
        pltpu.sync_copy(act0_h.at[:, pl.ds(0, CH)], z8)

        b0 = w * BC
        pltpu.sync_copy(obs_h.at[:, pl.ds(b0, BC)], bf)
        pltpu.sync_copy(bf, o_obs.at[:, pl.ds(b0, BC)])
        pltpu.sync_copy(act_h.at[:, pl.ds(b0, BC)], ba)
        pltpu.sync_copy(ba, o_act.at[:, pl.ds(b0, BC)])

        start_u = w * UNITS_PER + jnp.minimum(w, REM_UNITS)
        start = K + start_u * U

        def fill(c, n):
            pltpu.sync_copy(z32.at[:, pl.ds(0, n)], o_obs.at[:, pl.ds(c, n)])
            pltpu.sync_copy(z8.at[:, pl.ds(0, n)], o_act.at[:, pl.ds(c, n)])

        def chunk(i, carry):
            fill(start + i * CH, CH)
            return carry

        lax.fori_loop(0, NFULL, chunk, 0)
        fill(start + NFULL * CH, TAIL)

        @pl.when(w < REM_UNITS)
        def _extra():
            fill(start + NFULL * CH + TAIL, U)

    return body(obs0T, act0T, obsT, actT)


def _tc_rest(nobsT, rewT, donT, mskT):
    grid = (pl.cdiv(BUFFER_SIZE, BSZ),)

    def tbody(nobs_h, rew_h, don_h, msk_h, o_nobs, o_rew, o_don, o_msk):
        j = pl.program_id(0)
        o_nobs[...] = jnp.zeros_like(o_nobs)
        o_rew[...] = jnp.zeros_like(o_rew)
        o_don[...] = jnp.zeros_like(o_don)
        o_msk[...] = jnp.zeros_like(o_msk)

        @pl.when(j == 0)
        def _batch():
            o_nobs[:, :K] = nobs_h[...]
            o_rew[:, :K] = rew_h[...]
            o_don[:, :K] = don_h[...]
            o_msk[:, :K] = msk_h[...]

    return pl.pallas_call(
        tbody,
        grid=grid,
        in_specs=[
            pl.BlockSpec((OBS_DIM, K), lambda j: (0, 0)),
            pl.BlockSpec((1, K), lambda j: (0, 0)),
            pl.BlockSpec((1, K), lambda j: (0, 0)),
            pl.BlockSpec((MASK_SIZE, K), lambda j: (0, 0)),
        ],
        out_specs=[
            pl.BlockSpec((OBS_DIM, BSZ), lambda j: (0, j)),
            pl.BlockSpec((1, BSZ), lambda j: (0, j)),
            pl.BlockSpec((1, BSZ), lambda j: (0, j)),
            pl.BlockSpec((MASK_SIZE, BSZ), lambda j: (0, j)),
        ],
        out_shape=[
            jax.ShapeDtypeStruct((OBS_DIM, BUFFER_SIZE), jnp.float32),
            jax.ShapeDtypeStruct((1, BUFFER_SIZE), jnp.float32),
            jax.ShapeDtypeStruct((1, BUFFER_SIZE), jnp.uint8),
            jax.ShapeDtypeStruct((MASK_SIZE, BUFFER_SIZE), jnp.uint8),
        ],
    )(nobsT, rewT, donT, mskT)


def _tc_tail(o_obs, o_act):
    last = BUFFER_SIZE // U

    def tbody(i0, i1, oo, oa):
        oo[...] = jnp.zeros_like(oo)
        oa[...] = jnp.zeros_like(oa)

    def spec(d):
        return pl.BlockSpec((d, U), lambda i: (0, last))

    specs = [spec(OBS_DIM), spec(ACT_DIM)]
    return pl.pallas_call(
        tbody,
        grid=(1,),
        in_specs=specs,
        out_specs=specs,
        out_shape=[jax.ShapeDtypeStruct(x.shape, x.dtype)
                   for x in (o_obs, o_act)],
        input_output_aliases={0: 0, 1: 1},
    )(o_obs, o_act)


def kernel(observations_buf, next_observations_buf, actions_buf, rewards_buf,
           dones_buf, masks_buf, pos, full, obs, next_obs, action, reward,
           done, mask):
    k = obs.shape[0]
    obs0T = observations_buf.T
    act0T = actions_buf.T
    obsT = obs.T
    actT = action.reshape(k, ACT_DIM).T
    nobsT = next_obs.T
    rewT = reward.reshape(1, k)
    donT = done.reshape(1, k).astype(jnp.uint8)
    mskT = mask.T.astype(jnp.uint8)

    o_obs, o_act = _sc_f32(obs0T, act0T, obsT, actT)
    o_nobs, o_rew, o_don, o_msk = _tc_rest(nobsT, rewT, donT, mskT)
    o_obs, o_act = _tc_tail(o_obs, o_act)

    new_pos = jnp.mod(pos + k, BUFFER_SIZE)
    new_full = jnp.logical_or(full, pos + k >= BUFFER_SIZE)
    return (o_obs.T, o_nobs.T, o_act.T, o_rew.T,
            o_don.astype(jnp.bool_).T, o_msk.astype(jnp.bool_).T,
            new_pos, new_full)

# --- scband reference (transcript-rebuilt; emitter-appended) ---
"""Pipeline reference for scband-replay-buffer-56745107915125 (READ-ONLY COPY).

The authoritative reference and input builder live on the scoring server;
editing this copy changes nothing except your own understanding.
"""

import jax, jax.numpy as jnp
import numpy as np

BUFFER_SIZE = 1000000
OBS_DIM = 32
ACT_DIM = 8
MASK_SIZE = 10
K = 4096


def setup_inputs(seed: int = 0) -> dict:
    key = jax.random.key(seed)
    ks = jax.random.split(key, 6)
    return {
        "observations_buf": jnp.zeros((BUFFER_SIZE, OBS_DIM), jnp.float32),
        "next_observations_buf": jnp.zeros((BUFFER_SIZE, OBS_DIM), jnp.float32),
        "actions_buf": jnp.zeros((BUFFER_SIZE, ACT_DIM), jnp.float32),
        "rewards_buf": jnp.zeros((BUFFER_SIZE, 1), jnp.float32),
        "dones_buf": jnp.zeros((BUFFER_SIZE, 1), jnp.bool_),
        "masks_buf": jnp.zeros((BUFFER_SIZE, MASK_SIZE), jnp.bool_),
        "pos": jnp.zeros((), jnp.int32),
        "full": jnp.zeros((), jnp.bool_),
        "obs": jax.random.normal(ks[0], (K, OBS_DIM), jnp.float32),
        "next_obs": jax.random.normal(ks[1], (K, OBS_DIM), jnp.float32),
        "action": jax.random.normal(ks[2], (K, ACT_DIM), jnp.float32),
        "reward": jax.random.normal(ks[3], (K,), jnp.float32),
        "done": jax.random.bernoulli(ks[4], 0.1, (K,)),
        "mask": jax.random.bernoulli(ks[5], 0.5, (K, MASK_SIZE)),
    }


def reference(observations_buf, next_observations_buf, actions_buf, rewards_buf,
              dones_buf, masks_buf, pos, full, obs, next_obs, action, reward,
              done, mask):
    # Faithful translation of ReplayBuffer.add (compress=None path).
    k = obs.shape[0]
    reward = reward.reshape(k, 1)
    done = done.reshape(k, 1)
    act_tail_shape = actions_buf.shape[1:]
    action = action.reshape(k, *act_tail_shape)
    idx = jnp.mod(pos + jnp.arange(k), BUFFER_SIZE)
    new_observations = observations_buf.at[idx].set(obs)
    new_next_observations = next_observations_buf.at[idx].set(next_obs)
    new_actions = actions_buf.at[idx].set(action)
    new_rewards = rewards_buf.at[idx].set(reward)
    new_dones = dones_buf.at[idx].set(done)
    new_masks = masks_buf.at[idx].set(mask)
    new_pos = jnp.mod(pos + k, BUFFER_SIZE)
    new_full = jnp.logical_or(full, pos + k >= BUFFER_SIZE)
    return (new_observations, new_next_observations, new_actions, new_rewards,
            new_dones, new_masks, new_pos, new_full)

if __name__ == "__main__":
    import jax
    _d = setup_inputs()
    print(jax.jit(kernel)(*tuple(_d.values())))

</pallas_src>

<mosaic_0001>
#map = affine_map<(d0, d1) -> (0, 0)>
module attributes {stable_mosaic.version = 14 : i64} {
  func.func @body(%arg0: i32, %arg1: i32, %arg2: memref<32x1000000xf32, #tpu.memory_space<hbm>>, %arg3: memref<8x1000000xf32, #tpu.memory_space<hbm>>, %arg4: memref<32x4096xf32, #tpu.memory_space<hbm>>, %arg5: memref<8x4096xf32, #tpu.memory_space<hbm>>, %arg6: memref<32x1000000xf32, #tpu.memory_space<hbm>>, %arg7: memref<8x1000000xf32, #tpu.memory_space<hbm>>, %arg8: memref<32x2048xf32, #tpu.memory_space<vmem>>, %arg9: memref<8x2048xf32, #tpu.memory_space<vmem>>, %arg10: memref<32x128xf32, #tpu.memory_space<vmem>>, %arg11: memref<8x128xf32, #tpu.memory_space<vmem>>) attributes {dimension_semantics = [#tpu.dimension_semantics<core_parallel>, #tpu.dimension_semantics<subcore_parallel>], iteration_bounds = array<i64: 2, 16>, scalar_prefetch = 0 : i64, scratch_operands = 4 : i64, tpu.core_type = #tpu.core_type<sc_vector_subcore>, window_params = [{transform_indices = #map}, {transform_indices = #map}, {transform_indices = #map}, {transform_indices = #map}, {transform_indices = #map}, {transform_indices = #map}]} {
    %mul3A = arith.constant 2 : i32
    %mul3A_0 = arith.muli %arg1, %mul3A : i32
    %add3A = arith.addi %mul3A_0, %arg0 : i32
    "tpu.region"() ({
      %run_scoped3A = tpu.sem_alloc : memref<!tpu.dma_semaphore, #tpu.memory_space<semaphore_mem>>
      %dma_start3A = arith.constant 0 : i32
      %dma_start3A_20 = arith.constant 0 : i32
      %dma_start3A_21 = tpu.memref_slice %arg2[%dma_start3A, %dma_start3A_20] : memref<32x1000000xf32, #tpu.memory_space<hbm>> -> memref<32x2048xf32, #tpu.memory_space<hbm>>
      %dma_start3A_22 = arith.constant 0 : i32
      %dma_start3A_23 = arith.constant 0 : i32
      %dma_start3A_24 = tpu.memref_slice %arg2[%dma_start3A_22, %dma_start3A_23] : memref<32x1000000xf32, #tpu.memory_space<hbm>> -> memref<32x2048xf32, #tpu.memory_space<hbm>>
      tpu.enqueue_dma source(%dma_start3A_24 : memref<32x2048xf32, #tpu.memory_space<hbm>>) target(%arg8 : memref<32x2048xf32, #tpu.memory_space<vmem>>) target_semaphore(%run_scoped3A : memref<!tpu.dma_semaphore, #tpu.memory_space<semaphore_mem>>)
      %dma_wait3A = arith.constant 0 : i32
      %dma_wait3A_25 = arith.constant 0 : i32
      %dma_wait3A_26 = tpu.memref_slice %arg2[%dma_wait3A, %dma_wait3A_25] : memref<32x1000000xf32, #tpu.memory_space<hbm>> -> memref<32x2048xf32, #tpu.memory_space<hbm>>
      %dma_wait3A_27 = arith.constant 0 : i32
      %dma_wait3A_28 = arith.constant 0 : i32
      %dma_wait3A_29 = tpu.memref_slice %arg2[%dma_wait3A_27, %dma_wait3A_28] : memref<32x1000000xf32, #tpu.memory_space<hbm>> -> memref<32x2048xf32, #tpu.memory_space<hbm>>
      tpu.wait_dma2 semaphore(%run_scoped3A : memref<!tpu.dma_semaphore, #tpu.memory_space<semaphore_mem>>) src(%dma_wait3A_29 : memref<32x2048xf32, #tpu.memory_space<hbm>>) dst(%arg8 : memref<32x2048xf32, #tpu.memory_space<vmem>>)
      tpu.yield
    }) : () -> ()
    "tpu.region"() ({
      %run_scoped3A = tpu.sem_alloc : memref<!tpu.dma_semaphore, #tpu.memory_space<semaphore_mem>>
      %dma_start3A = arith.constant 0 : i32
      %dma_start3A_20 = arith.constant 0 : i32
      %dma_start3A_21 = tpu.memref_slice %arg3[%dma_start3A, %dma_start3A_20] : memref<8x1000000xf32, #tpu.memory_space<hbm>> -> memref<8x2048xf32, #tpu.memory_space<hbm>>
      %dma_start3A_22 = arith.constant 0 : i32
      %dma_start3A_23 = arith.constant 0 : i32
      %dma_start3A_24 = tpu.memref_slice %arg3[%dma_start3A_22, %dma_start3A_23] : memref<8x1000000xf32, #tpu.memory_space<hbm>> -> memref<8x2048xf32, #tpu.memory_space<hbm>>
      tpu.enqueue_dma source(%dma_start3A_24 : memref<8x2048xf32, #tpu.memory_space<hbm>>) target(%arg9 : memref<8x2048xf32, #tpu.memory_space<vmem>>) target_semaphore(%run_scoped3A : memref<!tpu.dma_semaphore, #tpu.memory_space<semaphore_mem>>)
      %dma_wait3A = arith.constant 0 : i32
      %dma_wait3A_25 = arith.constant 0 : i32
      %dma_wait3A_26 = tpu.memref_slice %arg3[%dma_wait3A, %dma_wait3A_25] : memref<8x1000000xf32, #tpu.memory_space<hbm>> -> memref<8x2048xf32, #tpu.memory_space<hbm>>
      %dma_wait3A_27 = arith.constant 0 : i32
      %dma_wait3A_28 = arith.constant 0 : i32
      %dma_wait3A_29 = tpu.memref_slice %arg3[%dma_wait3A_27, %dma_wait3A_28] : memref<8x1000000xf32, #tpu.memory_space<hbm>> -> memref<8x2048xf32, #tpu.memory_space<hbm>>
      tpu.wait_dma2 semaphore(%run_scoped3A : memref<!tpu.dma_semaphore, #tpu.memory_space<semaphore_mem>>) src(%dma_wait3A_29 : memref<8x2048xf32, #tpu.memory_space<hbm>>) dst(%arg9 : memref<8x2048xf32, #tpu.memory_space<vmem>>)
      tpu.yield
    }) : () -> ()
    %mul3A_1 = arith.constant 128 : i32
    %mul3A_2 = arith.muli %add3A, %mul3A_1 : i32
    "tpu.region"() ({
      %run_scoped3A = tpu.sem_alloc : memref<!tpu.dma_semaphore, #tpu.memory_space<semaphore_mem>>
      %dma_start3A = arith.constant 0 : i32
      %dma_start3A_20 = tpu.memref_slice %arg4[%dma_start3A, %mul3A_2] : memref<32x4096xf32, #tpu.memory_space<hbm>> -> memref<32x128xf32, #tpu.memory_space<hbm>>
      %dma_start3A_21 = arith.constant 0 : i32
      %dma_start3A_22 = tpu.memref_slice %arg4[%dma_start3A_21, %mul3A_2] : memref<32x4096xf32, #tpu.memory_space<hbm>> -> memref<32x128xf32, #tpu.memory_space<hbm>>
      tpu.enqueue_dma source(%dma_start3A_22 : memref<32x128xf32, #tpu.memory_space<hbm>>) target(%arg10 : memref<32x128xf32, #tpu.memory_space<vmem>>) target_semaphore(%run_scoped3A : memref<!tpu.dma_semaphore, #tpu.memory_space<semaphore_mem>>)
      %dma_wait3A = arith.constant 0 : i32
      %dma_wait3A_23 = tpu.memref_slice %arg4[%dma_wait3A, %mul3A_2] : memref<32x4096xf32, #tpu.memory_space<hbm>> -> memref<32x128xf32, #tpu.memory_space<hbm>>
      %dma_wait3A_24 = arith.constant 0 : i32
      %dma_wait3A_25 = tpu.memref_slice %arg4[%dma_wait3A_24, %mul3A_2] : memref<32x4096xf32, #tpu.memory_space<hbm>> -> memref<32x128xf32, #tpu.memory_space<hbm>>
      tpu.wait_dma2 semaphore(%run_scoped3A : memref<!tpu.dma_semaphore, #tpu.memory_space<semaphore_mem>>) src(%dma_wait3A_25 : memref<32x128xf32, #tpu.memory_space<hbm>>) dst(%arg10 : memref<32x128xf32, #tpu.memory_space<vmem>>)
      tpu.yield
    }) : () -> ()
    "tpu.region"() ({
      %run_scoped3A = tpu.sem_alloc : memref<!tpu.dma_semaphore, #tpu.memory_space<semaphore_mem>>
      %dma_start3A = arith.constant 0 : i32
      %dma_start3A_20 = tpu.memref_slice %arg6[%dma_start3A, %mul3A_2] : memref<32x1000000xf32, #tpu.memory_space<hbm>> -> memref<32x128xf32, #tpu.memory_space<hbm>>
      %dma_start3A_21 = arith.constant 0 : i32
      %dma_start3A_22 = tpu.memref_slice %arg6[%dma_start3A_21, %mul3A_2] : memref<32x1000000xf32, #tpu.memory_space<hbm>> -> memref<32x128xf32, #tpu.memory_space<hbm>>
      tpu.enqueue_dma source(%arg10 : memref<32x128xf32, #tpu.memory_space<vmem>>) target(%dma_start3A_22 : memref<32x128xf32, #tpu.memory_space<hbm>>) target_semaphore(%run_scoped3A : memref<!tpu.dma_semaphore, #tpu.memory_space<semaphore_mem>>)
      %dma_wait3A = arith.constant 0 : i32
      %dma_wait3A_23 = tpu.memref_slice %arg6[%dma_wait3A, %mul3A_2] : memref<32x1000000xf32, #tpu.memory_space<hbm>> -> memref<32x128xf32, #tpu.memory_space<hbm>>
      %dma_wait3A_24 = arith.constant 0 : i32
      %dma_wait3A_25 = tpu.memref_slice %arg6[%dma_wait3A_24, %mul3A_2] : memref<32x1000000xf32, #tpu.memory_space<hbm>> -> memref<32x128xf32, #tpu.memory_space<hbm>>
      tpu.wait_dma2 semaphore(%run_scoped3A : memref<!tpu.dma_semaphore, #tpu.memory_space<semaphore_mem>>) src(%arg10 : memref<32x128xf32, #tpu.memory_space<vmem>>) dst(%dma_wait3A_25 : memref<32x128xf32, #tpu.memory_space<hbm>>)
      tpu.yield
    }) : () -> ()
    "tpu.region"() ({
      %run_scoped3A = tpu.sem_alloc : memref<!tpu.dma_semaphore, #tpu.memory_space<semaphore_mem>>
      %dma_start3A = arith.constant 0 : i32
      %dma_start3A_20 = tpu.memref_slice %arg5[%dma_start3A, %mul3A_2] : memref<8x4096xf32, #tpu.memory_space<hbm>> -> memref<8x128xf32, #tpu.memory_space<hbm>>
      %dma_start3A_21 = arith.constant 0 : i32
      %dma_start3A_22 = tpu.memref_slice %arg5[%dma_start3A_21, %mul3A_2] : memref<8x4096xf32, #tpu.memory_space<hbm>> -> memref<8x128xf32, #tpu.memory_space<hbm>>
      tpu.enqueue_dma source(%dma_start3A_22 : memref<8x128xf32, #tpu.memory_space<hbm>>) target(%arg11 : memref<8x128xf32, #tpu.memory_space<vmem>>) target_semaphore(%run_scoped3A : memref<!tpu.dma_semaphore, #tpu.memory_space<semaphore_mem>>)
      %dma_wait3A = arith.constant 0 : i32
      %dma_wait3A_23 = tpu.memref_slice %arg5[%dma_wait3A, %mul3A_2] : memref<8x4096xf32, #tpu.memory_space<hbm>> -> memref<8x128xf32, #tpu.memory_space<hbm>>
      %dma_wait3A_24 = arith.constant 0 : i32
      %dma_wait3A_25 = tpu.memref_slice %arg5[%dma_wait3A_24, %mul3A_2] : memref<8x4096xf32, #tpu.memory_space<hbm>> -> memref<8x128xf32, #tpu.memory_space<hbm>>
      tpu.wait_dma2 semaphore(%run_scoped3A : memref<!tpu.dma_semaphore, #tpu.memory_space<semaphore_mem>>) src(%dma_wait3A_25 : memref<8x128xf32, #tpu.memory_space<hbm>>) dst(%arg11 : memref<8x128xf32, #tpu.memory_space<vmem>>)
      tpu.yield
    }) : () -> ()
    "tpu.region"() ({
      %run_scoped3A = tpu.sem_alloc : memref<!tpu.dma_semaphore, #tpu.memory_space<semaphore_mem>>
      %dma_start3A = arith.constant 0 : i32
      %dma_start3A_20 = tpu.memref_slice %arg7[%dma_start3A, %mul3A_2] : memref<8x1000000xf32, #tpu.memory_space<hbm>> -> memref<8x128xf32, #tpu.memory_space<hbm>>
      %dma_start3A_21 = arith.constant 0 : i32
      %dma_start3A_22 = tpu.memref_slice %arg7[%dma_start3A_21, %mul3A_2] : memref<8x1000000xf32, #tpu.memory_space<hbm>> -> memref<8x128xf32, #tpu.memory_space<hbm>>
      tpu.enqueue_dma source(%arg11 : memref<8x128xf32, #tpu.memory_space<vmem>>) target(%dma_start3A_22 : memref<8x128xf32, #tpu.memory_space<hbm>>) target_semaphore(%run_scoped3A : memref<!tpu.dma_semaphore, #tpu.memory_space<semaphore_mem>>)
      %dma_wait3A = arith.constant 0 : i32
      %dma_wait3A_23 = tpu.memref_slice %arg7[%dma_wait3A, %mul3A_2] : memref<8x1000000xf32, #tpu.memory_space<hbm>> -> memref<8x128xf32, #tpu.memory_space<hbm>>
      %dma_wait3A_24 = arith.constant 0 : i32
      %dma_wait3A_25 = tpu.memref_slice %arg7[%dma_wait3A_24, %mul3A_2] : memref<8x1000000xf32, #tpu.memory_space<hbm>> -> memref<8x128xf32, #tpu.memory_space<hbm>>
      tpu.wait_dma2 semaphore(%run_scoped3A : memref<!tpu.dma_semaphore, #tpu.memory_space<semaphore_mem>>) src(%arg11 : memref<8x128xf32, #tpu.memory_space<vmem>>) dst(%dma_wait3A_25 : memref<8x128xf32, #tpu.memory_space<hbm>>)
      tpu.yield
    }) : () -> ()
    %mul3A_3 = arith.constant 243 : i32
    %mul3A_4 = arith.muli %add3A, %mul3A_3 : i32
    %min3A = arith.constant 4 : i32
    %min3A_5 = arith.minsi %add3A, %min3A : i32
    %add3A_6 = arith.addi %mul3A_4, %min3A_5 : i32
    %mul3A_7 = arith.constant 128 : i32
    %mul3A_8 = arith.muli %add3A_6, %mul3A_7 : i32
    %add3A_9 = arith.constant 4096 : i32
    %add3A_10 = arith.addi %add3A_9, %mul3A_8 : i32
    %scan3A = arith.constant 0 : i32
    %scan3A_11 = arith.constant 0 : i32
    %scan3A_12 = arith.constant 15 : i32
    %scan3A_13 = arith.addi %scan3A_11, %scan3A_12 : i32
    %scan3A_14 = arith.constant 1 : i32
    scf.for %scan3A_20 = %scan3A_11 to %scan3A_13 step %scan3A_14  : i32 {
      %mul3A_21 = arith.constant 2048 : i32
      %mul3A_22 = arith.muli %scan3A_20, %mul3A_21 : i32
      %add3A_23 = arith.addi %add3A_10, %mul3A_22 : i32
      "tpu.region"() ({
        %run_scoped3A = tpu.sem_alloc : memref<!tpu.dma_semaphore, #tpu.memory_space<semaphore_mem>>
        %dma_start3A = arith.constant 0 : i32
        %dma_start3A_24 = arith.constant 0 : i32
        %dma_start3A_25 = tpu.memref_slice %arg8[%dma_start3A, %dma_start3A_24] : memref<32x2048xf32, #tpu.memory_space<vmem>> -> memref<32x2048xf32, #tpu.memory_space<vmem>>
        %dma_start3A_26 = arith.constant 0 : i32
        %dma_start3A_27 = tpu.memref_slice %arg6[%dma_start3A_26, %add3A_23] : memref<32x1000000xf32, #tpu.memory_space<hbm>> -> memref<32x2048xf32, #tpu.memory_space<hbm>>
        %dma_start3A_28 = arith.constant 0 : i32
        %dma_start3A_29 = tpu.memref_slice %arg6[%dma_start3A_28, %add3A_23] : memref<32x1000000xf32, #tpu.memory_space<hbm>> -> memref<32x2048xf32, #tpu.memory_space<hbm>>
        %dma_start3A_30 = arith.constant 0 : i32
        %dma_start3A_31 = arith.constant 0 : i32
        %dma_start3A_32 = tpu.memref_slice %arg8[%dma_start3A_30, %dma_start3A_31] : memref<32x2048xf32, #tpu.memory_space<vmem>> -> memref<32x2048xf32, #tpu.memory_space<vmem>>
        tpu.enqueue_dma source(%dma_start3A_32 : memref<32x2048xf32, #tpu.memory_space<vmem>>) target(%dma_start3A_29 : memref<32x2048xf32, #tpu.memory_space<hbm>>) target_semaphore(%run_scoped3A : memref<!tpu.dma_semaphore, #tpu.memory_space<semaphore_mem>>)
        %dma_wait3A = arith.constant 0 : i32
        %dma_wait3A_33 = arith.constant 0 : i32
        %dma_wait3A_34 = tpu.memref_slice %arg8[%dma_wait3A, %dma_wait3A_33] : memref<32x2048xf32, #tpu.memory_space<vmem>> -> memref<32x2048xf32, #tpu.memory_space<vmem>>
        %dma_wait3A_35 = arith.constant 0 : i32
        %dma_wait3A_36 = tpu.memref_slice %arg6[%dma_wait3A_35, %add3A_23] : memref<32x1000000xf32, #tpu.memory_space<hbm>> -> memref<32x2048xf32, #tpu.memory_space<hbm>>
        %dma_wait3A_37 = arith.constant 0 : i32
        %dma_wait3A_38 = tpu.memref_slice %arg6[%dma_wait3A_37, %add3A_23] : memref<32x1000000xf32, #tpu.memory_space<hbm>> -> memref<32x2048xf32, #tpu.memory_space<hbm>>
        %dma_wait3A_39 = arith.constant 0 : i32
        %dma_wait3A_40 = arith.constant 0 : i32
        %dma_wait3A_41 = tpu.memref_slice %arg8[%dma_wait3A_39, %dma_wait3A_40] : memref<32x2048xf32, #tpu.memory_space<vmem>> -> memref<32x2048xf32, #tpu.memory_space<vmem>>
        tpu.wait_dma2 semaphore(%run_scoped3A : memref<!tpu.dma_semaphore, #tpu.memory_space<semaphore_mem>>) src(%dma_wait3A_41 : memref<32x2048xf32, #tpu.memory_space<vmem>>) dst(%dma_wait3A_38 : memref<32x2048xf32, #tpu.memory_space<hbm>>)
        tpu.yield
      }) : () -> ()
      "tpu.region"() ({
        %run_scoped3A = tpu.sem_alloc : memref<!tpu.dma_semaphore, #tpu.memory_space<semaphore_mem>>
        %dma_start3A = arith.constant 0 : i32
        %dma_start3A_24 = arith.constant 0 : i32
        %dma_start3A_25 = tpu.memref_slice %arg9[%dma_start3A, %dma_start3A_24] : memref<8x2048xf32, #tpu.memory_space<vmem>> -> memref<8x2048xf32, #tpu.memory_space<vmem>>
        %dma_start3A_26 = arith.constant 0 : i32
        %dma_start3A_27 = tpu.memref_slice %arg7[%dma_start3A_26, %add3A_23] : memref<8x1000000xf32, #tpu.memory_space<hbm>> -> memref<8x2048xf32, #tpu.memory_space<hbm>>
        %dma_start3A_28 = arith.constant 0 : i32
        %dma_start3A_29 = tpu.memref_slice %arg7[%dma_start3A_28, %add3A_23] : memref<8x1000000xf32, #tpu.memory_space<hbm>> -> memref<8x2048xf32, #tpu.memory_space<hbm>>
        %dma_start3A_30 = arith.constant 0 : i32
        %dma_start3A_31 = arith.constant 0 : i32
        %dma_start3A_32 = tpu.memref_slice %arg9[%dma_start3A_30, %dma_start3A_31] : memref<8x2048xf32, #tpu.memory_space<vmem>> -> memref<8x2048xf32, #tpu.memory_space<vmem>>
        tpu.enqueue_dma source(%dma_start3A_32 : memref<8x2048xf32, #tpu.memory_space<vmem>>) target(%dma_start3A_29 : memref<8x2048xf32, #tpu.memory_space<hbm>>) target_semaphore(%run_scoped3A : memref<!tpu.dma_semaphore, #tpu.memory_space<semaphore_mem>>)
        %dma_wait3A = arith.constant 0 : i32
        %dma_wait3A_33 = arith.constant 0 : i32
        %dma_wait3A_34 = tpu.memref_slice %arg9[%dma_wait3A, %dma_wait3A_33] : memref<8x2048xf32, #tpu.memory_space<vmem>> -> memref<8x2048xf32, #tpu.memory_space<vmem>>
        %dma_wait3A_35 = arith.constant 0 : i32
        %dma_wait3A_36 = tpu.memref_slice %arg7[%dma_wait3A_35, %add3A_23] : memref<8x1000000xf32, #tpu.memory_space<hbm>> -> memref<8x2048xf32, #tpu.memory_space<hbm>>
        %dma_wait3A_37 = arith.constant 0 : i32
        %dma_wait3A_38 = tpu.memref_slice %arg7[%dma_wait3A_37, %add3A_23] : memref<8x1000000xf32, #tpu.memory_space<hbm>> -> memref<8x2048xf32, #tpu.memory_space<hbm>>
        %dma_wait3A_39 = arith.constant 0 : i32
        %dma_wait3A_40 = arith.constant 0 : i32
        %dma_wait3A_41 = tpu.memref_slice %arg9[%dma_wait3A_39, %dma_wait3A_40] : memref<8x2048xf32, #tpu.memory_space<vmem>> -> memref<8x2048xf32, #tpu.memory_space<vmem>>
        tpu.wait_dma2 semaphore(%run_scoped3A : memref<!tpu.dma_semaphore, #tpu.memory_space<semaphore_mem>>) src(%dma_wait3A_41 : memref<8x2048xf32, #tpu.memory_space<vmem>>) dst(%dma_wait3A_38 : memref<8x2048xf32, #tpu.memory_space<hbm>>)
        tpu.yield
      }) : () -> ()
    }
    %scan3A_15 = arith.constant 15 : i32
    %add3A_16 = arith.constant 30720 : i32
    %add3A_17 = arith.addi %add3A_10, %add3A_16 : i32
    "tpu.region"() ({
      %run_scoped3A = tpu.sem_alloc : memref<!tpu.dma_semaphore, #tpu.memory_space<semaphore_mem>>
      %dma_start3A = arith.constant 0 : i32
      %dma_start3A_20 = arith.constant 0 : i32
      %dma_start3A_21 = tpu.memref_slice %arg8[%dma_start3A, %dma_start3A_20] : memref<32x2048xf32, #tpu.memory_space<vmem>> -> memref<32x384xf32, #tpu.memory_space<vmem>>
      %dma_start3A_22 = arith.constant 0 : i32
      %dma_start3A_23 = tpu.memref_slice %arg6[%dma_start3A_22, %add3A_17] : memref<32x1000000xf32, #tpu.memory_space<hbm>> -> memref<32x384xf32, #tpu.memory_space<hbm>>
      %dma_start3A_24 = arith.constant 0 : i32
      %dma_start3A_25 = tpu.memref_slice %arg6[%dma_start3A_24, %add3A_17] : memref<32x1000000xf32, #tpu.memory_space<hbm>> -> memref<32x384xf32, #tpu.memory_space<hbm>>
      %dma_start3A_26 = arith.constant 0 : i32
      %dma_start3A_27 = arith.constant 0 : i32
      %dma_start3A_28 = tpu.memref_slice %arg8[%dma_start3A_26, %dma_start3A_27] : memref<32x2048xf32, #tpu.memory_space<vmem>> -> memref<32x384xf32, #tpu.memory_space<vmem>>
      tpu.enqueue_dma source(%dma_start3A_28 : memref<32x384xf32, #tpu.memory_space<vmem>>) target(%dma_start3A_25 : memref<32x384xf32, #tpu.memory_space<hbm>>) target_semaphore(%run_scoped3A : memref<!tpu.dma_semaphore, #tpu.memory_space<semaphore_mem>>)
      %dma_wait3A = arith.constant 0 : i32
      %dma_wait3A_29 = arith.constant 0 : i32
      %dma_wait3A_30 = tpu.memref_slice %arg8[%dma_wait3A, %dma_wait3A_29] : memref<32x2048xf32, #tpu.memory_space<vmem>> -> memref<32x384xf32, #tpu.memory_space<vmem>>
      %dma_wait3A_31 = arith.constant 0 : i32
      %dma_wait3A_32 = tpu.memref_slice %arg6[%dma_wait3A_31, %add3A_17] : memref<32x1000000xf32, #tpu.memory_space<hbm>> -> memref<32x384xf32, #tpu.memory_space<hbm>>
      %dma_wait3A_33 = arith.constant 0 : i32
      %dma_wait3A_34 = tpu.memref_slice %arg6[%dma_wait3A_33, %add3A_17] : memref<32x1000000xf32, #tpu.memory_space<hbm>> -> memref<32x384xf32, #tpu.memory_space<hbm>>
      %dma_wait3A_35 = arith.constant 0 : i32
      %dma_wait3A_36 = arith.constant 0 : i32
      %dma_wait3A_37 = tpu.memref_slice %arg8[%dma_wait3A_35, %dma_wait3A_36] : memref<32x2048xf32, #tpu.memory_space<vmem>> -> memref<32x384xf32, #tpu.memory_space<vmem>>
      tpu.wait_dma2 semaphore(%run_scoped3A : memref<!tpu.dma_semaphore, #tpu.memory_space<semaphore_mem>>) src(%dma_wait3A_37 : memref<32x384xf32, #tpu.memory_space<vmem>>) dst(%dma_wait3A_34 : memref<32x384xf32, #tpu.memory_space<hbm>>)
      tpu.yield
    }) : () -> ()
    "tpu.region"() ({
      %run_scoped3A = tpu.sem_alloc : memref<!tpu.dma_semaphore, #tpu.memory_space<semaphore_mem>>
      %dma_start3A = arith.constant 0 : i32
      %dma_start3A_20 = arith.constant 0 : i32
      %dma_start3A_21 = tpu.memref_slice %arg9[%dma_start3A, %dma_start3A_20] : memref<8x2048xf32, #tpu.memory_space<vmem>> -> memref<8x384xf32, #tpu.memory_space<vmem>>
      %dma_start3A_22 = arith.constant 0 : i32
      %dma_start3A_23 = tpu.memref_slice %arg7[%dma_start3A_22, %add3A_17] : memref<8x1000000xf32, #tpu.memory_space<hbm>> -> memref<8x384xf32, #tpu.memory_space<hbm>>
      %dma_start3A_24 = arith.constant 0 : i32
      %dma_start3A_25 = tpu.memref_slice %arg7[%dma_start3A_24, %add3A_17] : memref<8x1000000xf32, #tpu.memory_space<hbm>> -> memref<8x384xf32, #tpu.memory_space<hbm>>
      %dma_start3A_26 = arith.constant 0 : i32
      %dma_start3A_27 = arith.constant 0 : i32
      %dma_start3A_28 = tpu.memref_slice %arg9[%dma_start3A_26, %dma_start3A_27] : memref<8x2048xf32, #tpu.memory_space<vmem>> -> memref<8x384xf32, #tpu.memory_space<vmem>>
      tpu.enqueue_dma source(%dma_start3A_28 : memref<8x384xf32, #tpu.memory_space<vmem>>) target(%dma_start3A_25 : memref<8x384xf32, #tpu.memory_space<hbm>>) target_semaphore(%run_scoped3A : memref<!tpu.dma_semaphore, #tpu.memory_space<semaphore_mem>>)
      %dma_wait3A = arith.constant 0 : i32
      %dma_wait3A_29 = arith.constant 0 : i32
      %dma_wait3A_30 = tpu.memref_slice %arg9[%dma_wait3A, %dma_wait3A_29] : memref<8x2048xf32, #tpu.memory_space<vmem>> -> memref<8x384xf32, #tpu.memory_space<vmem>>
      %dma_wait3A_31 = arith.constant 0 : i32
      %dma_wait3A_32 = tpu.memref_slice %arg7[%dma_wait3A_31, %add3A_17] : memref<8x1000000xf32, #tpu.memory_space<hbm>> -> memref<8x384xf32, #tpu.memory_space<hbm>>
      %dma_wait3A_33 = arith.constant 0 : i32
      %dma_wait3A_34 = tpu.memref_slice %arg7[%dma_wait3A_33, %add3A_17] : memref<8x1000000xf32, #tpu.memory_space<hbm>> -> memref<8x384xf32, #tpu.memory_space<hbm>>
      %dma_wait3A_35 = arith.constant 0 : i32
      %dma_wait3A_36 = arith.constant 0 : i32
      %dma_wait3A_37 = tpu.memref_slice %arg9[%dma_wait3A_35, %dma_wait3A_36] : memref<8x2048xf32, #tpu.memory_space<vmem>> -> memref<8x384xf32, #tpu.memory_space<vmem>>
      tpu.wait_dma2 semaphore(%run_scoped3A : memref<!tpu.dma_semaphore, #tpu.memory_space<semaphore_mem>>) src(%dma_wait3A_37 : memref<8x384xf32, #tpu.memory_space<vmem>>) dst(%dma_wait3A_34 : memref<8x384xf32, #tpu.memory_space<hbm>>)
      tpu.yield
    }) : () -> ()
    %lt3A = arith.constant 4 : i32
    %lt3A_18 = arith.cmpi slt, %add3A, %lt3A : i32
    %convert_element_type3A = arith.extui %lt3A_18 : i1 to i32
    %cond3A = arith.constant 0 : i32
    %cond3A_19 = arith.cmpi ne, %convert_element_type3A, %cond3A : i32
    scf.if %cond3A_19 {
      %add3A_20 = arith.constant 30720 : i32
      %add3A_21 = arith.addi %add3A_10, %add3A_20 : i32
      %add3A_22 = arith.constant 384 : i32
      %add3A_23 = arith.addi %add3A_21, %add3A_22 : i32
      "tpu.region"() ({
        %run_scoped3A = tpu.sem_alloc : memref<!tpu.dma_semaphore, #tpu.memory_space<semaphore_mem>>
        %dma_start3A = arith.constant 0 : i32
        %dma_start3A_24 = arith.constant 0 : i32
        %dma_start3A_25 = tpu.memref_slice %arg8[%dma_start3A, %dma_start3A_24] : memref<32x2048xf32, #tpu.memory_space<vmem>> -> memref<32x128xf32, #tpu.memory_space<vmem>>
        %dma_start3A_26 = arith.constant 0 : i32
        %dma_start3A_27 = tpu.memref_slice %arg6[%dma_start3A_26, %add3A_23] : memref<32x1000000xf32, #tpu.memory_space<hbm>> -> memref<32x128xf32, #tpu.memory_space<hbm>>
        %dma_start3A_28 = arith.constant 0 : i32
        %dma_start3A_29 = tpu.memref_slice %arg6[%dma_start3A_28, %add3A_23] : memref<32x1000000xf32, #tpu.memory_space<hbm>> -> memref<32x128xf32, #tpu.memory_space<hbm>>
        %dma_start3A_30 = arith.constant 0 : i32
        %dma_start3A_31 = arith.constant 0 : i32
        %dma_start3A_32 = tpu.memref_slice %arg8[%dma_start3A_30, %dma_start3A_31] : memref<32x2048xf32, #tpu.memory_space<vmem>> -> memref<32x128xf32, #tpu.memory_space<vmem>>
        tpu.enqueue_dma source(%dma_start3A_32 : memref<32x128xf32, #tpu.memory_space<vmem>>) target(%dma_start3A_29 : memref<32x128xf32, #tpu.memory_space<hbm>>) target_semaphore(%run_scoped3A : memref<!tpu.dma_semaphore, #tpu.memory_space<semaphore_mem>>)
        %dma_wait3A = arith.constant 0 : i32
        %dma_wait3A_33 = arith.constant 0 : i32
        %dma_wait3A_34 = tpu.memref_slice %arg8[%dma_wait3A, %dma_wait3A_33] : memref<32x2048xf32, #tpu.memory_space<vmem>> -> memref<32x128xf32, #tpu.memory_space<vmem>>
        %dma_wait3A_35 = arith.constant 0 : i32
        %dma_wait3A_36 = tpu.memref_slice %arg6[%dma_wait3A_35, %add3A_23] : memref<32x1000000xf32, #tpu.memory_space<hbm>> -> memref<32x128xf32, #tpu.memory_space<hbm>>
        %dma_wait3A_37 = arith.constant 0 : i32
        %dma_wait3A_38 = tpu.memref_slice %arg6[%dma_wait3A_37, %add3A_23] : memref<32x1000000xf32, #tpu.memory_space<hbm>> -> memref<32x128xf32, #tpu.memory_space<hbm>>
        %dma_wait3A_39 = arith.constant 0 : i32
        %dma_wait3A_40 = arith.constant 0 : i32
        %dma_wait3A_41 = tpu.memref_slice %arg8[%dma_wait3A_39, %dma_wait3A_40] : memref<32x2048xf32, #tpu.memory_space<vmem>> -> memref<32x128xf32, #tpu.memory_space<vmem>>
        tpu.wait_dma2 semaphore(%run_scoped3A : memref<!tpu.dma_semaphore, #tpu.memory_space<semaphore_mem>>) src(%dma_wait3A_41 : memref<32x128xf32, #tpu.memory_space<vmem>>) dst(%dma_wait3A_38 : memref<32x128xf32, #tpu.memory_space<hbm>>)
        tpu.yield
      }) : () -> ()
      "tpu.region"() ({
        %run_scoped3A = tpu.sem_alloc : memref<!tpu.dma_semaphore, #tpu.memory_space<semaphore_mem>>
        %dma_start3A = arith.constant 0 : i32
        %dma_start3A_24 = arith.constant 0 : i32
        %dma_start3A_25 = tpu.memref_slice %arg9[%dma_start3A, %dma_start3A_24] : memref<8x2048xf32, #tpu.memory_space<vmem>> -> memref<8x128xf32, #tpu.memory_space<vmem>>
        %dma_start3A_26 = arith.constant 0 : i32
        %dma_start3A_27 = tpu.memref_slice %arg7[%dma_start3A_26, %add3A_23] : memref<8x1000000xf32, #tpu.memory_space<hbm>> -> memref<8x128xf32, #tpu.memory_space<hbm>>
        %dma_start3A_28 = arith.constant 0 : i32
        %dma_start3A_29 = tpu.memref_slice %arg7[%dma_start3A_28, %add3A_23] : memref<8x1000000xf32, #tpu.memory_space<hbm>> -> memref<8x128xf32, #tpu.memory_space<hbm>>
        %dma_start3A_30 = arith.constant 0 : i32
        %dma_start3A_31 = arith.constant 0 : i32
        %dma_start3A_32 = tpu.memref_slice %arg9[%dma_start3A_30, %dma_start3A_31] : memref<8x2048xf32, #tpu.memory_space<vmem>> -> memref<8x128xf32, #tpu.memory_space<vmem>>
        tpu.enqueue_dma source(%dma_start3A_32 : memref<8x128xf32, #tpu.memory_space<vmem>>) target(%dma_start3A_29 : memref<8x128xf32, #tpu.memory_space<hbm>>) target_semaphore(%run_scoped3A : memref<!tpu.dma_semaphore, #tpu.memory_space<semaphore_mem>>)
        %dma_wait3A = arith.constant 0 : i32
        %dma_wait3A_33 = arith.constant 0 : i32
        %dma_wait3A_34 = tpu.memref_slice %arg9[%dma_wait3A, %dma_wait3A_33] : memref<8x2048xf32, #tpu.memory_space<vmem>> -> memref<8x128xf32, #tpu.memory_space<vmem>>
        %dma_wait3A_35 = arith.constant 0 : i32
        %dma_wait3A_36 = tpu.memref_slice %arg7[%dma_wait3A_35, %add3A_23] : memref<8x1000000xf32, #tpu.memory_space<hbm>> -> memref<8x128xf32, #tpu.memory_space<hbm>>
        %dma_wait3A_37 = arith.constant 0 : i32
        %dma_wait3A_38 = tpu.memref_slice %arg7[%dma_wait3A_37, %add3A_23] : memref<8x1000000xf32, #tpu.memory_space<hbm>> -> memref<8x128xf32, #tpu.memory_space<hbm>>
        %dma_wait3A_39 = arith.constant 0 : i32
        %dma_wait3A_40 = arith.constant 0 : i32
        %dma_wait3A_41 = tpu.memref_slice %arg9[%dma_wait3A_39, %dma_wait3A_40] : memref<8x2048xf32, #tpu.memory_space<vmem>> -> memref<8x128xf32, #tpu.memory_space<vmem>>
        tpu.wait_dma2 semaphore(%run_scoped3A : memref<!tpu.dma_semaphore, #tpu.memory_space<semaphore_mem>>) src(%dma_wait3A_41 : memref<8x128xf32, #tpu.memory_space<vmem>>) dst(%dma_wait3A_38 : memref<8x128xf32, #tpu.memory_space<hbm>>)
        tpu.yield
      }) : () -> ()
    } else {
    }
    return
  }
}

module attributes {stable_mosaic.version = 14 : i64} {
  func.func @tbody(%arg0: i32, %arg1: memref<32x4096xf32, #tpu.memory_space<vmem>>, %arg2: memref<1x4096xf32, #tpu.memory_space<vmem>>, %arg3: memref<1x4096xi8, #tpu.memory_space<vmem>>, %arg4: memref<10x4096xi8, #tpu.memory_space<vmem>>, %arg5: memref<32x65536xf32, #tpu.memory_space<vmem>>, %arg6: memref<1x65536xf32, #tpu.memory_space<vmem>>, %arg7: memref<1x65536xi8, #tpu.memory_space<vmem>>, %arg8: memref<10x65536xi8, #tpu.memory_space<vmem>>) attributes {dimension_semantics = [#tpu.dimension_semantics<arbitrary>], iteration_bounds = array<i64: 16>, scalar_prefetch = 0 : i64, scratch_operands = 0 : i64, tpu.core_type = #tpu.core_type<tc>, window_params = [{pipeline_mode = #tpu.pipeline_mode<synchronous>, transform_indices = @transform_0, window_bounds = array<i64: 32, 4096>}, {pipeline_mode = #tpu.pipeline_mode<synchronous>, transform_indices = @transform_1, window_bounds = array<i64: 1, 4096>}, {pipeline_mode = #tpu.pipeline_mode<synchronous>, transform_indices = @transform_2, window_bounds = array<i64: 1, 4096>}, {pipeline_mode = #tpu.pipeline_mode<synchronous>, transform_indices = @transform_3, window_bounds = array<i64: 10, 4096>}, {transform_indices = @transform_4, window_bounds = array<i64: 32, 65536>}, {transform_indices = @transform_5, window_bounds = array<i64: 1, 65536>}, {transform_indices = @transform_6, window_bounds = array<i64: 1, 65536>}, {transform_indices = @transform_7, window_bounds = array<i64: 10, 65536>}]} {
    %broadcast_in_dim3A = arith.constant 0.000000e+00 : f32
    %broadcast_in_dim3A_0 = vector.broadcast %broadcast_in_dim3A : f32 to vector<32x65536xf32>
    %swap3A = arith.constant 0 : index
    %swap3A_1 = arith.constant 0 : index
    %swap3A_2 = vector.load %arg5[%swap3A, %swap3A_1] : memref<32x65536xf32, #tpu.memory_space<vmem>>, vector<32x65536xf32>
    tpu.vector_store %arg5[%swap3A, %swap3A_1], %broadcast_in_dim3A_0 {strides = array<i32>} : memref<32x65536xf32, #tpu.memory_space<vmem>>, vector<32x65536xf32>,
    %broadcast_in_dim3A_3 = arith.constant 0.000000e+00 : f32
    %broadcast_in_dim3A_4 = vector.broadcast %broadcast_in_dim3A_3 : f32 to vector<1x65536xf32>
    %swap3A_5 = arith.constant 0 : index
    %swap3A_6 = arith.constant 0 : index
    %swap3A_7 = vector.load %arg6[%swap3A_5, %swap3A_6] : memref<1x65536xf32, #tpu.memory_space<vmem>>, vector<1x65536xf32>
    tpu.vector_store %arg6[%swap3A_5, %swap3A_6], %broadcast_in_dim3A_4 {strides = array<i32>} : memref<1x65536xf32, #tpu.memory_space<vmem>>, vector<1x65536xf32>,
    %broadcast_in_dim3A_8 = arith.constant 0 : i8
    %broadcast_in_dim3A_9 = vector.broadcast %broadcast_in_dim3A_8 : i8 to vector<1x65536xi8>
    %swap3A_10 = arith.constant 0 : index
    %swap3A_11 = arith.constant 0 : index
    %swap3A_12 = vector.load %arg7[%swap3A_10, %swap3A_11] : memref<1x65536xi8, #tpu.memory_space<vmem>>, vector<1x65536xi8>
    tpu.vector_store %arg7[%swap3A_10, %swap3A_11], %broadcast_in_dim3A_9 {strides = array<i32>} : memref<1x65536xi8, #tpu.memory_space<vmem>>, vector<1x65536xi8>,
    %broadcast_in_dim3A_13 = arith.constant 0 : i8
    %broadcast_in_dim3A_14 = vector.broadcast %broadcast_in_dim3A_13 : i8 to vector<10x65536xi8>
    %swap3A_15 = arith.constant 0 : index
    %swap3A_16 = arith.constant 0 : index
    %swap3A_17 = vector.load %arg8[%swap3A_15, %swap3A_16] : memref<10x65536xi8, #tpu.memory_space<vmem>>, vector<10x65536xi8>
    tpu.vector_store %arg8[%swap3A_15, %swap3A_16], %broadcast_in_dim3A_14 {strides = array<i32>} : memref<10x65536xi8, #tpu.memory_space<vmem>>, vector<10x65536xi8>,
    %eq3A = arith.constant 0 : i32
    %eq3A_18 = arith.cmpi eq, %arg0, %eq3A : i32
    %convert_element_type3A = arith.extui %eq3A_18 : i1 to i32
    %cond3A = arith.constant 0 : i32
    %cond3A_19 = arith.cmpi ne, %convert_element_type3A, %cond3A : i32
    scf.if %cond3A_19 {
      %get3A = arith.constant 0 : index
      %get3A_20 = arith.constant 0 : index
      %get3A_21 = vector.load %arg1[%get3A, %get3A_20] : memref<32x4096xf32, #tpu.memory_space<vmem>>, vector<32x4096xf32>
      %swap3A_22 = arith.constant 0 : index
      %swap3A_23 = arith.constant 0 : index
      %swap3A_24 = vector.load %arg5[%swap3A_22, %swap3A_23] : memref<32x65536xf32, #tpu.memory_space<vmem>>, vector<32x4096xf32>
      tpu.vector_store %arg5[%swap3A_22, %swap3A_23], %get3A_21 {strides = array<i32>} : memref<32x65536xf32, #tpu.memory_space<vmem>>, vector<32x4096xf32>,
      %get3A_25 = arith.constant 0 : index
      %get3A_26 = arith.constant 0 : index
      %get3A_27 = vector.load %arg2[%get3A_25, %get3A_26] : memref<1x4096xf32, #tpu.memory_space<vmem>>, vector<1x4096xf32>
      %swap3A_28 = arith.constant 0 : index
      %swap3A_29 = arith.constant 0 : index
      %swap3A_30 = vector.load %arg6[%swap3A_28, %swap3A_29] : memref<1x65536xf32, #tpu.memory_space<vmem>>, vector<1x4096xf32>
      tpu.vector_store %arg6[%swap3A_28, %swap3A_29], %get3A_27 {strides = array<i32>} : memref<1x65536xf32, #tpu.memory_space<vmem>>, vector<1x4096xf32>,
      %get3A_31 = arith.constant 0 : index
      %get3A_32 = arith.constant 0 : index
      %get3A_33 = vector.load %arg3[%get3A_31, %get3A_32] : memref<1x4096xi8, #tpu.memory_space<vmem>>, vector<1x4096xi8>
      %swap3A_34 = arith.constant 0 : index
      %swap3A_35 = arith.constant 0 : index
      %swap3A_36 = vector.load %arg7[%swap3A_34, %swap3A_35] : memref<1x65536xi8, #tpu.memory_space<vmem>>, vector<1x4096xi8>
      tpu.vector_store %arg7[%swap3A_34, %swap3A_35], %get3A_33 {strides = array<i32>} : memref<1x65536xi8, #tpu.memory_space<vmem>>, vector<1x4096xi8>,
      %get3A_37 = arith.constant 0 : index
      %get3A_38 = arith.constant 0 : index
      %get3A_39 = vector.load %arg4[%get3A_37, %get3A_38] : memref<10x4096xi8, #tpu.memory_space<vmem>>, vector<10x4096xi8>
      %swap3A_40 = arith.constant 0 : index
      %swap3A_41 = arith.constant 0 : index
      %swap3A_42 = vector.load %arg8[%swap3A_40, %swap3A_41] : memref<10x65536xi8, #tpu.memory_space<vmem>>, vector<10x4096xi8>
      tpu.vector_store %arg8[%swap3A_40, %swap3A_41], %get3A_39 {strides = array<i32>} : memref<10x65536xi8, #tpu.memory_space<vmem>>, vector<10x4096xi8>,
    } else {
    }
    return
  }
  func.func @transform_0(%arg0: i32) -> (i32, i32) {
    %c0_i32 = arith.constant 0 : i32
    %c0_i32_0 = arith.constant 0 : i32
    %c0_i32_1 = arith.constant 0 : i32
    return %c0_i32, %c0_i32_0 : i32, i32
  }
  func.func @transform_1(%arg0: i32) -> (i32, i32) {
    %c0_i32 = arith.constant 0 : i32
    %c0_i32_0 = arith.constant 0 : i32
    %c0_i32_1 = arith.constant 0 : i32
    return %c0_i32, %c0_i32_0 : i32, i32
  }
  func.func @transform_2(%arg0: i32) -> (i32, i32) {
    %c0_i32 = arith.constant 0 : i32
    %c0_i32_0 = arith.constant 0 : i32
    %c0_i32_1 = arith.constant 0 : i32
    return %c0_i32, %c0_i32_0 : i32, i32
  }
  func.func @transform_3(%arg0: i32) -> (i32, i32) {
    %c0_i32 = arith.constant 0 : i32
    %c0_i32_0 = arith.constant 0 : i32
    %c0_i32_1 = arith.constant 0 : i32
    return %c0_i32, %c0_i32_0 : i32, i32
  }
  func.func @transform_4(%arg0: i32) -> (i32, i32) {
    %c0_i32 = arith.constant 0 : i32
    %c0_i32_0 = arith.constant 0 : i32
    return %c0_i32, %arg0 : i32, i32
  }
  func.func @transform_5(%arg0: i32) -> (i32, i32) {
    %c0_i32 = arith.constant 0 : i32
    %c0_i32_0 = arith.constant 0 : i32
    return %c0_i32, %arg0 : i32, i32
  }
  func.func @transform_6(%arg0: i32) -> (i32, i32) {
    %c0_i32 = arith.constant 0 : i32
    %c0_i32_0 = arith.constant 0 : i32
    return %c0_i32, %arg0 : i32, i32
  }
  func.func @transform_7(%arg0: i32) -> (i32, i32) {
    %c0_i32 = arith.constant 0 : i32
    %c0_i32_0 = arith.constant 0 : i32
    return %c0_i32, %arg0 : i32, i32
  }
}

module attributes {stable_mosaic.version = 14 : i64} {
  func.func @tbody(%arg0: i32, %arg1: memref<32x128xf32, #tpu.memory_space<vmem>>, %arg2: memref<8x128xf32, #tpu.memory_space<vmem>>, %arg3: memref<32x128xf32, #tpu.memory_space<vmem>>, %arg4: memref<8x128xf32, #tpu.memory_space<vmem>>) attributes {dimension_semantics = [#tpu.dimension_semantics<arbitrary>], iteration_bounds = array<i64: 1>, scalar_prefetch = 0 : i64, scratch_operands = 0 : i64, tpu.core_type = #tpu.core_type<tc>, window_params = [{transform_indices = @transform_0, window_bounds = array<i64: 32, 128>}, {transform_indices = @transform_1, window_bounds = array<i64: 8, 128>}, {transform_indices = @transform_2, window_bounds = array<i64: 32, 128>}, {transform_indices = @transform_3, window_bounds = array<i64: 8, 128>}]} {
    %broadcast_in_dim3A = arith.constant 0.000000e+00 : f32
    %broadcast_in_dim3A_0 = vector.broadcast %broadcast_in_dim3A : f32 to vector<32x128xf32>
    %swap3A = arith.constant 0 : index
    %swap3A_1 = arith.constant 0 : index
    %swap3A_2 = vector.load %arg3[%swap3A, %swap3A_1] : memref<32x128xf32, #tpu.memory_space<vmem>>, vector<32x128xf32>
    tpu.vector_store %arg3[%swap3A, %swap3A_1], %broadcast_in_dim3A_0 {strides = array<i32>} : memref<32x128xf32, #tpu.memory_space<vmem>>, vector<32x128xf32>,
    %broadcast_in_dim3A_3 = arith.constant 0.000000e+00 : f32
    %broadcast_in_dim3A_4 = vector.broadcast %broadcast_in_dim3A_3 : f32 to vector<8x128xf32>
    %swap3A_5 = arith.constant 0 : index
    %swap3A_6 = arith.constant 0 : index
    %swap3A_7 = vector.load %arg4[%swap3A_5, %swap3A_6] : memref<8x128xf32, #tpu.memory_space<vmem>>, vector<8x128xf32>
    tpu.vector_store %arg4[%swap3A_5, %swap3A_6], %broadcast_in_dim3A_4 {strides = array<i32>} : memref<8x128xf32, #tpu.memory_space<vmem>>, vector<8x128xf32>,
    return
  }
  func.func @transform_0(%arg0: i32) -> (i32, i32) {
    %c0_i32 = arith.constant 0 : i32
    %c7812_i32 = arith.constant 7812 : i32
    %c0_i32_0 = arith.constant 0 : i32
    return %c0_i32, %c7812_i32 : i32, i32
  }
  func.func @transform_1(%arg0: i32) -> (i32, i32) {
    %c0_i32 = arith.constant 0 : i32
    %c7812_i32 = arith.constant 7812 : i32
    %c0_i32_0 = arith.constant 0 : i32
    return %c0_i32, %c7812_i32 : i32, i32
  }
  func.func @transform_2(%arg0: i32) -> (i32, i32) {
    %c0_i32 = arith.constant 0 : i32
    %c7812_i32 = arith.constant 7812 : i32
    %c0_i32_0 = arith.constant 0 : i32
    return %c0_i32, %c7812_i32 : i32, i32
  }
  func.func @transform_3(%arg0: i32) -> (i32, i32) {
    %c0_i32 = arith.constant 0 : i32
    %c7812_i32 = arith.constant 7812 : i32
    %c0_i32_0 = arith.constant 0 : i32
    return %c0_i32, %c7812_i32 : i32, i32
  }
}

</mosaic_0001>

<sc_bundles>
// kernel: kernel.5.cloned.1.call-start
scs
__scs_entry_jumppad:
0x0: {  	(pc) =	sbr.rel $0x88, $3  }
0x1: {  	(tag) =	ssettag $0x0;
	lr =	simm.s32 $0x1  }
0x2: {  	[smem:$0x3F97] =	sst lr;
	_ =	strace $0xD0000000  }
0x3: {  	_ = 	snop  }
0x4: {  	_ = 	snop  }
0x5: {  	_ = 	snop  }
0x6: {  	_ = 	snop  }
0x7: {  	_ = 	snop  }
__scs_overlays_trampoline_lowered:
0x8: {  	[smem:$0x3FA6] =	sst s0  }
0x9: {  	[smem:$0x3FA7] =	sst s1  }
0xa: {  	[smem:$0x3FA8] =	sst s2  }
0xb: {  	[smem:$0x3FA9] =	sst s3  }
0xc: {  	[smem:$0x3FAA] =	sst s4  }
0xd: {  	[smem:$0x3FAB] =	sst s5  }
0xe: {  	[smem:$0x3FAC] =	sst s6  }
0xf: {  	[smem:$0x3FAD] =	sst s7  }
0x10: {  	[smem:$0x3FAE] =	sst s8  }
0x11: {  	[smem:$0x3FAF] =	sst s9;
	s0 =	simm.s32 @!p0 $0x0  }
0x12: {  	s1 =	sld [smem:$0x3F95];
	s0 =	simm.s32 @p0 $0x1  }
0x13: {  	[smem:$0x3FB0] =	sst s0;
	s0 =	simm.s32 @!p1 $0x0  }
0x14: {  	s2 =	sld [smem:$0x3F94];
	s0 =	simm.s32 @p1 $0x1  }
0x15: {  	[smem:$0x3FB1] =	sst s0;
	s0 =	simm.s32 @!p2 $0x0  }
0x16: {  	s3 =	sld [smem:$0x3FDB];
	s0 =	simm.s32 @p2 $0x1  }
0x17: {  	s4 =	simm.s32 $0x1BF5;
	[smem:$0x3FB3] =	sst s0  }
0x18: {  	s0 =	sld [smem:$0x3F96];
	_ =	swait.ge [sflag:s4], $0x0  }
0x19: {  	s7 =	sld [smem:$0x3F97]  }
0x1a: {  	s8 =	sadd.s32 $0xFFFFE003, lr  }
0x1b: {  	s9 =	sadd.s32 $0xFFFFFEF7, lr;
	s5 =	simm.s32 $0xFFFFFFFF;
	p2 =	slt.u32 s8, $0xFFFFF086  }
0x1c: {  	p1 =	slt.u32 s9, $0xF7A;
	s5 =	simm.s32 @!p2 $0x0  }
0x1d: {  	s5 =	simm.s32 @p1 $0x1;
	p0 =	seq.s32 s7, s2  }
0x1e: {  	s7 =	smul.u32 @!p0 $0xF7A, s2;
	p2 =	seq.s32 @!p0 s5, $0x0  }
0x1f: {  	s9 =	smul.u32 $0xF7A, s1;
	s8 =	simm.s32 @!p0 $0x1BF5;
	p2 =	por !p2, p0  }
0x20: {  	[sflag:s8] =	ssyncset.s32 @!p0 $0xFFFFF086;
	s6 =	sadd.s32 @!p0 s3, s7;
	s7 =	simm.s32 @!p0 $0x108  }
0x21: {  	s3 =	sadd.s32 s3, s9;
	s6 =	sadd.s32 @!p0 $0x88, s6;
	s7 =	simm.s32 @p2 $0x1082  }
0x22: {  	[simem:s7], [sflag:s8] =	dma.local @!p0 [hbm:s6], $0xF7A  }
0x23: {  	s9 =	sor.u32 $0xD0000000, s2;
	s6 =	simm.s32 $0x108;
	_ =	swait.ge @!p0 [sflag:s8], $0x0  }
0x24: {  	s3 =	sadd.s32 $0x88, s3;
	s6 =	simm.s32 @!p1 $0x1082;
	[sflag:s4] =	ssyncset.s32 $0xFFFFF086  }
0x25: {  	[simem:s6], [sflag:s4] =	dma.local [hbm:s3], $0xF7A  }
0x26: {  	[smem:$0x3F97] =	sst s1;
	(tag) =	ssettag s2;
	_ =	strace s9  }
0x27: {  	s1 =	sld [smem:$0x3FA7]  }
0x28: {  	s2 =	sld [smem:$0x3FA8]  }
0x29: {  	s4 =	sld [smem:$0x3FAA]  }
0x2a: {  	p0 =	seq.s32 s5, $0x0;
	s5 =	sld [smem:$0x3FAB]  }
0x2b: {  	s6 =	sld [smem:$0x3FAC]  }
0x2c: {  	s7 =	sld [smem:$0x3FAD]  }
0x2d: {  	s3 =	simm.s32 $0x108;
	s8 =	sld [smem:$0x3FAE]  }
0x2e: {  	s3 =	simm.s32 @!p0 $0x1082;
	s9 =	sld [smem:$0x3FAF]  }
0x2f: {  	lr =	sadd.s32 s0, s3;
	s0 =	sld [smem:$0x3FA6]  }
0x30: {  	s3 =	sld [smem:$0x3FA9]  }
0x31: {  	[smem:$0x3FB2] =	sst s10  }
0x32: {  	s10 =	sld [smem:$0x3FB0];
	_ =	sdelay $0x3  }
0x33: {  	p0 =	seq.s32 s10, $0x1;
	s10 =	sld [smem:$0x3FB2];
	_ =	sdelay $0x3  }
0x34: {  	[smem:$0x3FB2] =	sst s10  }
0x35: {  	s10 =	sld [smem:$0x3FB1];
	_ =	sdelay $0x3  }
0x36: {  	p1 =	seq.s32 s10, $0x1;
	s10 =	sld [smem:$0x3FB2];
	_ =	sdelay $0x3  }
0x37: {  	[smem:$0x3FB2] =	sst s10  }
0x38: {  	s10 =	sld [smem:$0x3FB3]  }
0x39: {  	_ = 	snop;
	(pc) =	sbr.ind lr, $3  }
0x3a: {  	_ = 	snop  }
0x3b: {  	_ = 	snop  }
0x3c: {  	p2 =	seq.s32 s10, $0x1;
	s10 =	sld [smem:$0x3FB2]  }
0x3d: {  	_ =	shalt  }
0x3e: {  	_ =	shalt  }
0x3f: {  	_ =	shalt  }
0x40: {  	_ =	shalt  }
0x41: {  	_ =	shalt  }
0x42: {  	_ =	shalt  }
0x43: {  	_ =	shalt  }
0x44: {  	_ =	shalt  }
0x45: {  	_ =	shalt  }
0x46: {  	_ =	shalt  }
0x47: {  	_ =	shalt  }
0x48: {  	_ =	shalt  }
0x49: {  	_ =	shalt  }
0x4a: {  	_ =	shalt  }
0x4b: {  	_ =	shalt  }
0x4c: {  	_ =	shalt  }
0x4d: {  	_ =	shalt  }
0x4e: {  	_ =	shalt  }
0x4f: {  	_ =	shalt  }
0x50: {  	_ =	shalt  }
0x51: {  	_ =	shalt  }
0x52: {  	_ =	shalt  }
0x53: {  	_ =	shalt  }
0x54: {  	_ =	shalt  }
0x55: {  	_ =	shalt  }
0x56: {  	_ =	shalt  }
0x57: {  	_ =	shalt  }
0x58: {  	_ =	shalt  }
0x59: {  	_ =	shalt  }
0x5a: {  	_ =	shalt  }
0x5b: {  	_ =	shalt  }
0x5c: {  	_ =	shalt  }
0x5d: {  	_ =	shalt  }
0x5e: {  	_ =	shalt  }
0x5f: {  	_ =	shalt  }
0x60: {  	_ =	shalt  }
0x61: {  	_ =	shalt  }
0x62: {  	_ =	shalt  }
0x63: {  	_ =	shalt  }
0x64: {  	_ =	shalt  }
0x65: {  	_ =	shalt  }
0x66: {  	_ =	shalt  }
0x67: {  	_ =	shalt  }
0x68: {  	_ =	shalt  }
0x69: {  	_ =	shalt  }
0x6a: {  	_ =	shalt  }
0x6b: {  	_ =	shalt  }
0x6c: {  	_ =	shalt  }
0x6d: {  	_ =	shalt  }
0x6e: {  	_ =	shalt  }
0x6f: {  	_ =	shalt  }
0x70: {  	_ =	shalt  }
0x71: {  	_ =	shalt  }
0x72: {  	_ =	shalt  }
0x73: {  	_ =	shalt  }
0x74: {  	_ =	shalt  }
0x75: {  	_ =	shalt  }
0x76: {  	_ =	shalt  }
0x77: {  	_ =	shalt  }
0x78: {  	_ =	shalt  }
0x79: {  	_ =	shalt  }
0x7a: {  	_ =	shalt  }
0x7b: {  	_ =	shalt  }
0x7c: {  	_ =	shalt  }
0x7d: {  	_ =	shalt  }
0x7e: {  	_ =	shalt  }
0x7f: {  	_ =	shalt  }
0x80: {  	_ =	shalt  }
0x81: {  	_ =	shalt  }
0x82: {  	_ =	shalt  }
0x83: {  	_ =	shalt  }
0x84: {  	_ =	shalt  }
0x85: {  	_ =	shalt  }
0x86: {  	_ =	shalt  }
0x87: {  	_ =	shalt  }
.Lfunc_end0:
.L_simem_size_0:
called_computation_lowered:
.L_overlay_start_0:
0x88: {  	s2 =	sld [smem:$0x3FD9]  }
0x89: {  	s3 =	sld [smem:$0x3FFE];
	_ =	sdelay $0x1  }
0x8a: {  	s1 =	srdreg.scid  }
0x8b: {  	s0 =	sand.u32 $0x1, s1  }
0x8c: {  	s15 =	sshll.u32 s0, $0xA;
	s2 =	sadd.s32 s3, s2  }
0x8d: {  	s2 =	sadd.s32 s2, s15  }
0x8e: {  	[smem:$0x3FBE] =	sst s2  }
0x8f: {  	_ = 	snop  }
0x90: {  	s2 =	sld [smem:$0x3FC9]  }
0x91: {  	s16 =	sld [smem:$0x3FD0]  }
0x92: {  	s4 =	sld [smem:$0x3FC8]  }
0x93: {  	s5 =	sld [smem:$0x3FC5]  }
0x94: {  	s7 =	simm.s32 $0xA;
	s8 =	simm.s32 $0x10;
	s6 =	sld [smem:$0x3FC3]  }
0x95: {  	[smem:s8], [sflag:s7] =	dma.local [hbm:s16], $0x1  }
0x96: {  	_ =	swait.eq [sflag:s7], $0x1  }
0x97: {  	[sflag:s7] =	ssyncset.done $0x0  }
0x98: {  	s17 =	sld [smem:$0x10];
	[sflag:s7] =	ssyncadd.s32 $0xFFFFFFFF  }
0x99: {  	s18 =	sld [smem:$0x12];
	(tm) =	ssettm $0x1  }
0x9a: {  	s19 =	sld [smem:$0x3FFB];
	_ =	sdelay $0x3  }
0x9b: {  	_ =	strace s19  }
0x9c: {  	s8 =	sld [smem:$0x3FFC];
	_ =	sdelay $0x3  }
0x9d: {  	_ =	strace s8  }
0x9e: {  	s8 =	sld [smem:$0x3FFD];
	_ =	sdelay $0x3  }
0x9f: {  	_ =	strace s8  }
0xa0: {  	_ =	strace $0x8FFFFFFF  }
0xa1: {  	s20 =	sld [smem:$0x3FDB];
	_ =	sdelay $0x1  }
0xa2: {  	s9 =	simm.s32 $_scs_section_size  }
0xa3: {  	s10 =	simm.s32 $_size__tile_overlayer_lowered;
	s11 =	simm.s32 $_tile_overlayer_lowered  }
0xa4: {  	s23 =	simm.s32 $0x1BFF;
	s22 =	sshll.u32 s11, $0x1;
	s8 =	sadd.s32 s9, s20  }
0xa5: {  	s12 =	simm.s32 $0x0;
	s21 =	sshll.u32 s10, $0x1;
	s10 =	sadd.s32 s22, s8  }
0xa6: {  	[timem:s12], [sflag:s23] =	dma.local [hbm:s10], s21  }
0xa7: {  	_ =	swait.ge [sflag:s23], s21  }
0xa8: {  	s9 =	ssub.s32 $0x0, s21;
	[sflag:s23] =	ssyncset.done $0x0  }
0xa9: {  	[sflag:s23] =	ssyncadd.s32 s9;
	_ =	sdelay $0x1  }
0xaa: {  	s24 =	simm.s32 $0x1B8B  }
0xab: {  	_ =	swait.ge [sflag:s24], $0x1  }
0xac: {  	[sflag:s24] =	ssyncset.done $0x0  }
0xad: {  	s25 =	simm.s32 $0x1B8E;
	[sflag:s24] =	ssyncadd.s32 $0xFFFFFFFF  }
0xae: {  	s26 =	simm.s32 $execute0_lowered;
	[smem:$0x3FD2] =	sst s25  }
0xaf: {  	s9 =	sshll.u32 s26, $0x1;
	_ =	strace $0x80000046;
	[dreg:$0x1] =	wrdreg $0xFFFFFFFF  }
0xb0: {  	s28 =	simm.s32 $_size_execute0_lowered;
	s8 =	sadd.s32 s8, s9;
	[dreg:$0x0] =	wrdreg $0x0  }
0xb1: {  	s9 =	sshll.u32 s28, $0x1;
	[dreg:$0x2] =	wrdreg s8  }
0xb2: {  	[dreg:$0x3] =	wrdreg s9  }
0xb3: {  	[dreg:$0x4] =	wrdreg $0xC0  }
0xb4: {  	_ =	task [dreg:s12], $0x5FFFF  }
0xb5: {  	[dreg:$0x1] =	wrdreg $0xFFFFFFFF  }
0xb6: {  	[dreg:$0x0] =	wrdreg $0x60  }
0xb7: {  	[dreg:$0x2] =	wrdreg s2  }
0xb8: {  	[dreg:$0x3] =	wrdreg s4  }
0xb9: {  	[dreg:$0x4] =	wrdreg s5  }
0xba: {  	[dreg:$0x5] =	wrdreg s6  }
0xbb: {  	[dreg:$0x6] =	wrdreg s17  }
0xbc: {  	[dreg:$0x7] =	wrdreg s18  }
0xbd: {  	[dreg:$0x8] =	wrdreg $0x9  }
0xbe: {  	_ =	task.clear_ibuf [dreg:s12], $0x9FFFF;
	_ =	strace $0x90000046  }
0xbf: {  	s29 =	simm.s32 $0x9;
	_ =	strace $0x80000048  }
0xc0: {  	_ =	swait.ge [sflag:s29], $0x1  }
0xc1: {  	[sflag:s29] =	ssyncadd.s32 $0xFFFFFFFF  }
0xc2: {  	_ =	strace $0x90000048  }
0xc3: {  	_ =	sfence  }
0xc4: {  	s30 =	sld [smem:$0x0];
	_ =	sdelay $0x2  }
0xc5: {  	s31 =	sshll.u32 s1, $0xD;
	s1 =	sshrl.u32 s1, $0x2  }
0xc6: {  	s3 =	sand.u32 $0x4000, s31;
	s1 =	sadd.s32 s1, s30  }
0xc7: {  	s0 =	sor.u32 s3, s0;
	s1 =	sshll.u32 s1, $0x11  }
0xc8: {  	s0 =	sor.u32 s1, s0  }
0xc9: {  	s0 =	sadd.s32 $0x8F2B, s0  }
0xca: {  	[sflag:s0] =	ssyncadd.remote.s32 $0x1  }
0xcb: {  	_ =	sfence.sel $0xFFFF  }
0xcc: {  	[dreg:$0x0] =	wrdreg $0xFFFFFFFF;
	(pc) =	sbr.abs _section_cstart, $3  }
0xcd: {  	[dreg:$0x1] =	wrdreg $0xFFFFFFFF  }
0xce: {  	_ =	task.clear_ibuf [dreg:s12], $0x2FFFF;
	_ =	strace $0x9FFFFFFF  }
0xcf: {  	(tm) =	ssettm $0x7FFFFFFF  }
tec
execute0_lowered:
.L_overlay_start_1:
0x0: {  	(tag) =	ssettag $0x1  }
0x1: {  	s1 =	rddreg [dreg:$0x0]  }
0x2: {  	s2 =	rddreg [dreg:$0x1]  }
0x3: {  	s5 =	rddreg [dreg:$0x2]  }
0x4: {  	s7 =	rddreg [dreg:$0x3]  }
0x5: {  	s13 =	rddreg [dreg:$0x4]  }
0x6: {  	s15 =	rddreg [dreg:$0x5]  }
0x7: {  	s0 =	rddreg [dreg:$0x6]  }
0x8: {  	s6 =	srdreg.scid;
	s3 =	stileid.u32  }
0x9: {  	s4 =	simm.s32 $0x0;
	s18 =	simm.s32 $0x1;
	s19 =	simm.s32 $0x10000  }
0xa: {  	s20 =	simm.s32 $0x400;
	s21 =	simm.s32 $0x8000;
	s22 =	simm.s32 $0x14000  }
0xb: {  	s23 =	simm.s32 $0x15000;
	s24 =	simm.s32 $0xC000;
	s8 =	sand.u32 $0x1, s6  }
0xc: {  	s25 =	sshll.u32 s3, $0x1;
	[smem:$0x7FF] =	sst s4;
	s12 =	smul.u32 $0x1E6, s3  }
0xd: {  	p0 =	sgt.u32 s3, $0x1;
	s9 =	ssub.s32 $0x2, s8;
	s6 =	sor.u32 s8, s25  }
0xe: {  	_ =	strace $0x80000047;
	s16 =	smul.u32 $0xF3, s8;
	s25 =	simm.s32 $0x0  }
0xf: {  	s10 =	sshrl.u32 s9, $0x1;
	s11 =	smul.u32 $0xF3, s6;
	s26 =	sshll.u32 s6, $0x7  }
0x10: {  	s28 =	smin.u32 s6, $0x4;
	s14 =	ssub.s32 s9, s10;
	s5 =	sadd.s32 s5, s26  }
0x11: {  	s6 =	sadd.s32 s13, s26;
	s7 =	sadd.s32 s7, s26;
	s10 =	sadd.s32 s12, s28  }
0x12: {  	s8 =	sadd.s32 s15, s26;
	s11 =	sadd.s32 s28, s11;
	s12 =	sadd.s32 s16, s10  }
0x13: {  	s16 =	simm.s32 $0x4000;
	s11 =	sshll.u32 s11, $0x7;
	s30 =	sshll.u32 s12, $0x7  }
0x14: {  	s17 =	sadd.s32 $0x8800, s11;
	s29 =	sadd.s32 $0x8980, s11;
	s31 =	sadd.s32 s30, s13  }
0x15: {  	s9 =	sadd.s32 s13, s17;
	s10 =	sadd.s32 s15, s17;
	s11 =	sadd.s32 s13, s29  }
0x16: {  	s12 =	sadd.s32 s15, s29;
	s13 =	smax.u32 s14, $0x1;
	s15 =	sadd.s32 s30, s15  }
0x17: {  	s14 =	sadd.s32 $0x1000, s31;
	s17 =	simm.s32 $0x7A1400;
	s15 =	sadd.s32 $0x1000, s15  }
.LBB2_1:
0x18: {  	[tilespmem:s4], [sflag:$0x1] =	stream.strided.gather [hbm4b:s1+s16], $0x10000, s17, s16, $0x38;
	[tilespmem:$0x15400] =	vst v63  }
0x19: {  	_ =	swait.ge [sflag:s18], $0x10000  }
0x1a: {  	[sflag:s18] =	ssyncset.done $0x0  }
0x1b: {  	[sflag:s18] =	ssyncadd.s32 $0xFFFF0000  }
0x1c: {  	[tilespmem:s19], [sflag:$0x1] =	stream.linear.gather [hbm4b:s2+s4], $0x4000, $0x38;
	[tilespmem:$0x15400] =	vst v63  }
0x1d: {  	_ =	swait.ge [sflag:s18], $0x4000  }
0x1e: {  	[sflag:s18] =	ssyncset.done $0x0  }
0x1f: {  	[sflag:s18] =	ssyncadd.s32 $0xFFFFC000  }
0x20: {  	[tilespmem:s22], [sflag:$0x1] =	stream.strided.gather [hbm4b:s5+s20], $0x1000, s21, s20, $0x38;
	[tilespmem:$0x15400] =	vst v63  }
0x21: {  	_ =	swait.ge [sflag:s18], $0x1000  }
0x22: {  	[sflag:s18] =	ssyncset.done $0x0  }
0x23: {  	[sflag:s18] =	ssyncadd.s32 $0xFFFFF000  }
0x24: {  	[hbm4b:s6+s20] =	stream.strided.scatter [tilespmem:s22], [sflag:$0x1], $0x1000, s17, s20, $0x38;
	[tilespmem:$0x15400] =	vst v63  }
0x25: {  	_ =	swait.ge [sflag:s18], $0x1000  }
0x26: {  	[sflag:s18] =	ssyncset.done $0x0  }
0x27: {  	[sflag:s18] =	ssyncadd.s32 $0xFFFFF000  }
0x28: {  	[tilespmem:s23], [sflag:$0x1] =	stream.linear.gather [hbm4b:s7+s4], $0x400, $0x38;
	[tilespmem:$0x15400] =	vst v63  }
0x29: {  	_ =	swait.ge [sflag:s18], $0x400  }
0x2a: {  	[sflag:s18] =	ssyncset.done $0x0  }
0x2b: {  	[sflag:s18] =	ssyncadd.s32 $0xFFFFFC00  }
0x2c: {  	[hbm4b:s8+s4] =	stream.linear.scatter [tilespmem:s23], [sflag:$0x1], $0x400, $0x38;
	[tilespmem:$0x15400] =	vst v63  }
0x2d: {  	_ =	swait.ge [sflag:s18], $0x400  }
0x2e: {  	[sflag:s18] =	ssyncset.done $0x0  }
0x2f: {  	s26 =	sadd.s32 $0x0, s14;
	[sflag:s18] =	ssyncadd.s32 $0xFFFFFC00  }
0x30: {  	[hbm4b:s26+s16] =	stream.strided.scatter [tilespmem:s4], [sflag:$0x1], $0x10000, s17, s16, $0x38;
	[tilespmem:$0x15400] =	vst v63  }
0x31: {  	_ =	swait.ge [sflag:s18], $0x10000  }
0x32: {  	[sflag:s18] =	ssyncset.done $0x0  }
0x33: {  	s31 =	sadd.s32 $0x0, s15;
	[sflag:s18] =	ssyncadd.s32 $0xFFFF0000  }
0x34: {  	[hbm4b:s31+s4] =	stream.linear.scatter [tilespmem:s19], [sflag:$0x1], $0x4000, $0x38;
	[tilespmem:$0x15400] =	vst v63  }
0x35: {  	_ =	swait.ge [sflag:s18], $0x4000  }
0x36: {  	s28 =	simm.s32 $0x1000;
	s26 =	simm.s32 $0x800;
	[sflag:s18] =	ssyncset.done $0x0  }
.LBB2_2:
0x37: {  	s29 =	sadd.s32 s26, s14  }
0x38: {  	[sflag:s18] =	ssyncadd.s32 $0xFFFFC000;
	s30 =	smov.u32 s28;
	s31 =	sadd.s32 $0x800, s28  }
0x39: {  	[hbm4b:s29+s16] =	stream.strided.scatter [tilespmem:s4], [sflag:$0x1], $0x10000, s17, s16, $0x38;
	[tilespmem:$0x15400] =	vst v63  }
0x3a: {  	p1 =	sne.s32 s28, $0x7000;
	_ =	swait.ge [sflag:s18], $0x10000  }
.Ltmp0:
0x3b: {  	[sflag:s18] =	ssyncset.done $0x0;
	(pc) =	sbr.rel @p1 .LBB2_2-.Ltmp0, $4  }
0x3c: {  	s28 =	sadd.s32 s26, s15;
	s26 =	smov.u32 s30;
	[sflag:s18] =	ssyncadd.s32 $0xFFFF0000  }
0x3d: {  	[hbm4b:s28+s4] =	stream.linear.scatter [tilespmem:s19], [sflag:$0x1], $0x4000, $0x38;
	[tilespmem:$0x15400] =	vst v63  }
0x3e: {  	_ =	swait.ge [sflag:s18], $0x4000  }
0x3f: {  	s28 =	smov.u32 s31;
	[sflag:s18] =	ssyncset.done $0x0  }
0x40: {  	s28 =	sadd.s32 s26, s14;
	[sflag:s18] =	ssyncadd.s32 $0xFFFFC000  }
0x41: {  	[hbm4b:s28+s16] =	stream.strided.scatter [tilespmem:s4], [sflag:$0x1], $0x10000, s17, s16, $0x38;
	[tilespmem:$0x15400] =	vst v63  }
0x42: {  	_ =	swait.ge [sflag:s18], $0x10000  }
0x43: {  	[sflag:s18] =	ssyncset.done $0x0  }
0x44: {  	s28 =	sadd.s32 s26, s15;
	[sflag:s18] =	ssyncadd.s32 $0xFFFF0000  }
0x45: {  	[hbm4b:s28+s4] =	stream.linear.scatter [tilespmem:s19], [sflag:$0x1], $0x4000, $0x38;
	[tilespmem:$0x15400] =	vst v63  }
0x46: {  	_ =	swait.ge [sflag:s18], $0x4000  }
0x47: {  	[sflag:s18] =	ssyncset.done $0x0  }
0x48: {  	[sflag:s18] =	ssyncadd.s32 $0xFFFFC000  }
0x49: {  	[hbm4b:s9+s4] =	stream.linear.scatter [tilespmem:s4], [sflag:$0x1], $0xC00, $0x38;
	[tilespmem:$0x15400] =	vst v63  }
0x4a: {  	s29 =	sadd.s32 $0xF4280, s9  }
0x4b: {  	[hbm4b:s29+s4] =	stream.linear.scatter [tilespmem:s16], [sflag:$0x1], $0xC00, $0x38;
	[tilespmem:$0x15400] =	vst v63  }
0x4c: {  	s30 =	sadd.s32 $0x1E8500, s9  }
0x4d: {  	[hbm4b:s30+s4] =	stream.linear.scatter [tilespmem:s21], [sflag:$0x1], $0xC00, $0x38;
	[tilespmem:$0x15400] =	vst v63  }
0x4e: {  	s31 =	sadd.s32 $0x2DC780, s9  }
0x4f: {  	[hbm4b:s31+s4] =	stream.linear.scatter [tilespmem:s24], [sflag:$0x1], $0xC00, $0x38;
	[tilespmem:$0x15400] =	vst v63  }
0x50: {  	_ =	swait.ge [sflag:s18], $0x3000  }
0x51: {  	[sflag:s18] =	ssyncset.done $0x0  }
0x52: {  	[sflag:s18] =	ssyncadd.s32 $0xFFFFD000  }
0x53: {  	[hbm4b:s10+s4] =	stream.linear.scatter [tilespmem:s19], [sflag:$0x1], $0xC00, $0x38;
	[tilespmem:$0x15400] =	vst v63  }
0x54: {  	_ =	swait.ge [sflag:s18], $0xC00  }
0x55: {  	[sflag:s18] =	ssyncset.done $0x0  }
0x56: {  	s26 =	simm.s32 @!p0 $0x0;
	[sflag:s18] =	ssyncadd.s32 $0xFFFFF400  }
0x57: {  	[hbm4b:s11+s26] =	stream.linear.scatter @!p0 [tilespmem:s26], [sflag:$0x1], $0x400, $0x38;
	[tilespmem:$0x15400] =	vst v63  }
0x58: {  	s28 =	sadd.s32 @!p0 $0xF4280, s11;
	s29 =	simm.s32 @!p0 $0x4000  }
0x59: {  	[hbm4b:s28+s26] =	stream.linear.scatter @!p0 [tilespmem:s29], [sflag:$0x1], $0x400, $0x38;
	[tilespmem:$0x15400] =	vst v63  }
0x5a: {  	s28 =	sadd.s32 @!p0 $0x1E8500, s11;
	s29 =	simm.s32 @!p0 $0x8000  }
0x5b: {  	[hbm4b:s28+s26] =	stream.linear.scatter @!p0 [tilespmem:s29], [sflag:$0x1], $0x400, $0x38;
	[tilespmem:$0x15400] =	vst v63  }
0x5c: {  	s28 =	sadd.s32 @!p0 $0x2DC780, s11;
	s29 =	simm.s32 @!p0 $0xC000  }
0x5d: {  	[hbm4b:s28+s26] =	stream.linear.scatter @!p0 [tilespmem:s29], [sflag:$0x1], $0x400, $0x38;
	[tilespmem:$0x15400] =	vst v63  }
0x5e: {  	s28 =	simm.s32 @!p0 $0x1  }
0x5f: {  	s25 =	sadd.s32 $0x1, s25;
	_ =	swait.ge @!p0 [sflag:s28], $0x1000  }
0x60: {  	p1 =	sne.s32 s25, s13;
	[sflag:s28] =	ssyncset.done @!p0 $0x0  }
.Ltmp1:
0x61: {  	s29 =	simm.s32 @!p0 $0x10000;
	[sflag:s28] =	ssyncadd.s32 @!p0 $0xFFFFF000;
	(pc) =	sbr.rel @p1 .LBB2_1-.Ltmp1, $4  }
0x62: {  	[hbm4b:s12+s26] =	stream.linear.scatter @!p0 [tilespmem:s29], [sflag:$0x1], $0x400, $0x38;
	[tilespmem:$0x15400] =	vst v63  }
0x63: {  	_ =	swait.ge @!p0 [sflag:s28], $0x400  }
0x64: {  	[sflag:s28] =	ssyncset.done @!p0 $0x0  }
0x65: {  	[sflag:s28] =	ssyncadd.s32 @!p0 $0xFFFFFC00  }
0x66: {  	_ =	sfence.sel $0x180000  }
0x67: {  	[bflag:$0x0] =	sbarrier.arrive $0xFFFF  }
0x68: {  	p0 =	sne.s32 s3, $0x0;
	_ =	strace $0x90000047  }
0x69: {  	s0 =	sadd.s32 @!p0 $0x100000, s0;
	[bflag:$0x2] =	sbarrier.arrive $0xFFFF  }
0x6a: {  	[sflag:s0] =	ssyncadd.tile.s32 @!p0 $0x1;
	_ =	shalt  }
.Lfunc_end2:
_tile_overlayer_lowered:
.L_overlay_start_2:
0x6b: {  	(tag) =	ssettag $0x2  }
0x6c: {  	s0 =	rddreg [dreg:$0x0];
	s2 =	stileid.u32  }
0x6d: {  	s1 =	rddreg [dreg:$0x1];
	p0 =	sne.s32 s2, $0x0  }
0x6e: {  	s3 =	rddreg [dreg:$0x2];
	[bflag:$0x3] =	sbarrier.arrive $0xFFFF;
	s2 =	simm.s32 @!p0 $0x1C01  }
0x6f: {  	[timem:s3], [sflag:s2] =	dma.local @!p0 [hbm:s0], s1  }
0x70: {  	s0 =	simm.s32 @!p0 $0x1  }
0x71: {  	_ =	swait.ge @!p0 [sflag:s0], s1  }
0x72: {  	s1 =	ssub.s32 @!p0 $0x0, s1;
	[sflag:s0] =	ssyncset.done @!p0 $0x0  }
0x73: {  	[sflag:s0] =	ssyncadd.s32 @!p0 s1  }
0x74: {  	[bflag:$0x3] =	sbarrier.arrive $0xFFFF  }
0x75: {  	_ =	shalt  }

</sc_bundles>
